<compile_context>
chip_gen: v7x
topology: tpu7x:2x2x1
jax: 0.10.2.dev20260603
libtpu: 0.0.44.dev20260713+nightly
codegen_flags: <defaults>
</compile_context>

<pallas_src>
import functools

import jax
import jax.numpy as jnp
from jax import lax
from jax.experimental import pallas as pl
from jax.experimental.pallas import tpu as pltpu
from jax.experimental.pallas import tpu_sc as plsc

N_VOX = 50000
N_PTS = 100000
D = 128
N_CAP = 128
N_PAIRS = 200000

BLK = 512
VOX_PAD = 50176
NW = 32
CHUNK = 128
CH_PER_TILE = 49
PER_TILE = CH_PER_TILE * CHUNK
PAIRS_PAD = NW * PER_TILE
SEG_BLK = 3136


def _table_body(s_ref, x_ref, cap_ref, out_ref):
    x = x_ref[...]
    cap = cap_ref[...]
    capn = cap / (jnp.sqrt(jnp.sum(cap * cap, axis=1, keepdims=True)) + 1e-12)
    nx = x / (jnp.sqrt(jnp.sum(x * x, axis=1, keepdims=True)) + 1e-12)
    s = jnp.exp(s_ref[0, 0])
    sc = lax.dot_general(nx, capn, (((1,), (1,)), ((), ())),
                         preferred_element_type=jnp.float32) * s
    m = jnp.max(sc, axis=1, keepdims=True)
    lse = m + jnp.log(jnp.sum(jnp.exp(sc - m), axis=1, keepdims=True))
    out_ref[...] = sc - lse


def _build_table(adapter_feats_pad, caption_embed, logit_scale):
    return pl.pallas_call(
        _table_body,
        grid=(VOX_PAD // BLK,),
        in_specs=[
            pl.BlockSpec((1, 1), lambda i: (0, 0)),
            pl.BlockSpec((BLK, D), lambda i: (i, 0)),
            pl.BlockSpec((N_CAP, D), lambda i: (0, 0)),
        ],
        out_specs=pl.BlockSpec((BLK, D), lambda i: (i, 0)),
        out_shape=jax.ShapeDtypeStruct((VOX_PAD, D), jnp.float32),
    )(logit_scale.reshape(1, 1), adapter_feats_pad, caption_embed)


def _sc_body(table, v2p, c2p, seg, zeros, out, c2p_v, seg_v, ub, rows, acc):
    cid = lax.axis_index("c")
    sid = lax.axis_index("s")
    wid = cid * 16 + sid

    @pl.when(sid == 0)
    def _init():
        pltpu.sync_copy(zeros, acc)

    pltpu.sync_copy(c2p.at[wid], c2p_v)
    pltpu.sync_copy(seg.at[wid], seg_v)
    plsc.subcore_barrier()

    def body(i, carry):
        pltpu.sync_copy(v2p.at[c2p_v.at[i]], ub)
        pltpu.sync_copy(table.at[ub], rows)
        pltpu.sync_copy(rows, acc.at[seg_v.at[i]], add=True)
        return carry

    lax.fori_loop(0, CH_PER_TILE, body, 0)
    plsc.subcore_barrier()

    @pl.when(sid == 0)
    def _out():
        pltpu.sync_copy(acc, out.at[cid])


def _sc_segsum(table, v2p, c2p_pad, seg_pad, zeros):
    mesh = plsc.VectorSubcoreMesh(core_axis_name="c", subcore_axis_name="s")
    f = functools.partial(
        pl.kernel,
        mesh=mesh,
        out_type=jax.ShapeDtypeStruct((2, N_CAP + 1, D), jnp.float32),
        scratch_types=[
            pltpu.VMEM((CH_PER_TILE, CHUNK), jnp.int32),
            pltpu.VMEM((CH_PER_TILE, CHUNK), jnp.int32),
            pltpu.VMEM((CHUNK,), jnp.int32),
            pltpu.VMEM((CHUNK, D), jnp.float32),
            pltpu.VMEM_SHARED((N_CAP + 1, D), jnp.float32),
        ],
    )(_sc_body)
    return f(table, v2p, c2p_pad, seg_pad, zeros)


def _cnt_body(seg_ref, out_ref):
    i = pl.program_id(0)

    @pl.when(i == 0)
    def _init():
        out_ref[...] = jnp.zeros_like(out_ref)

    seg = seg_ref[...]
    caps = lax.broadcasted_iota(jnp.int32, (1, N_CAP), 1)
    onehot = (seg == caps).astype(jnp.float32)
    ones = jnp.ones((SEG_BLK, 1), jnp.float32)
    part = lax.dot_general(onehot, ones, (((0,), (0,)), ((), ())),
                           preferred_element_type=jnp.float32)
    out_ref[...] += part


def _counts(seg_pad_col):
    return pl.pallas_call(
        _cnt_body,
        grid=(PAIRS_PAD // SEG_BLK,),
        in_specs=[pl.BlockSpec((SEG_BLK, 1), lambda i: (i, 0))],
        out_specs=pl.BlockSpec((N_CAP, 1), lambda i: (0, 0)),
        out_shape=jax.ShapeDtypeStruct((N_CAP, 1), jnp.float32),
    )(seg_pad_col)


def _fin_body(g_ref, c_ref, out_ref, cnt_ref):
    g = g_ref[0] + g_ref[1]
    c = c_ref[...]
    out_ref[...] = g / jnp.maximum(c, 1.0)
    cnt_ref[...] = c


def _finalize(g2, cnt):
    return pl.pallas_call(
        _fin_body,
        out_shape=(
            jax.ShapeDtypeStruct((N_CAP, D), jnp.float32),
            jax.ShapeDtypeStruct((N_CAP, 1), jnp.float32),
        ),
    )(g2, cnt)


@jax.jit
def kernel(adapter_feats, v2p_map, caption_embed, caption2point_idx,
           segment_ids, logit_scale):
    feats_pad = jnp.pad(adapter_feats, ((0, VOX_PAD - N_VOX), (0, 0)))
    table = _build_table(feats_pad, caption_embed,
                         logit_scale.astype(jnp.float32))

    c2p_pad = jnp.pad(caption2point_idx.astype(jnp.int32),
                      (0, PAIRS_PAD - N_PAIRS))
    seg_pad = jnp.pad(segment_ids.astype(jnp.int32),
                      (0, PAIRS_PAD - N_PAIRS),
                      constant_values=N_CAP)
    zeros = jnp.zeros((N_CAP + 1, D), jnp.float32)

    acc2 = _sc_segsum(table, v2p_map.astype(jnp.int32),
                      c2p_pad.reshape(NW, CH_PER_TILE, CHUNK),
                      seg_pad.reshape(NW, CH_PER_TILE, CHUNK), zeros)

    cnt = _counts(seg_pad.reshape(PAIRS_PAD, 1))
    pooled, cnt2 = _finalize(acc2[:, :N_CAP, :], cnt)
    return pooled, cnt2.reshape(N_CAP)

# --- scband reference (transcript-rebuilt; emitter-appended) ---
"""Pipeline reference for scband-caption-head-62792421867532 (READ-ONLY COPY).

The authoritative reference and input builder live on the scoring server;
editing this copy changes nothing except your own understanding.
"""

import jax, jax.numpy as jnp
import numpy as np

N_VOX = 50000
N_PTS = 100000
D = 128
N_CAP = 128
N_PAIRS = 200000


def setup_inputs(seed: int = 0) -> dict:
    key = jax.random.key(seed)
    k1, k2, k3, k4, k5 = jax.random.split(key, 5)
    adapter_feats = jax.random.normal(k1, (N_VOX, D), dtype=jnp.float32)
    v2p_map = jax.random.randint(k2, (N_PTS,), 0, N_VOX)
    caption_embed = jax.random.normal(k3, (N_CAP, D), dtype=jnp.float32)
    caption2point_idx = jax.random.randint(k4, (N_PAIRS,), 0, N_PTS)
    segment_ids = jnp.sort(jax.random.randint(k5, (N_PAIRS,), 0, N_CAP))
    # learned scalar logit scale parameter: log(1/0.07)
    logit_scale = jnp.asarray(np.log(1.0 / 0.07), dtype=jnp.float32)
    return {
        'adapter_feats': adapter_feats,
        'v2p_map': v2p_map,
        'caption_embed': caption_embed,
        'caption2point_idx': caption2point_idx,
        'segment_ids': segment_ids,
        'logit_scale': logit_scale,
    }


def reference(adapter_feats, v2p_map, caption_embed, caption2point_idx, segment_ids, logit_scale):
    # gather voxel features to points (adapter_feats[v2p_map])
    feats = jnp.take(adapter_feats, v2p_map, axis=0)
    # FEAT_NORM: l2-normalize point features
    feats = feats / (jnp.linalg.norm(feats, axis=-1, keepdims=True) + 1e-12)
    # normalize caption embeddings
    cap = caption_embed / (jnp.linalg.norm(caption_embed, axis=-1, keepdims=True) + 1e-12)
    # caption scores with learnable logit scale (exp of log-scale param)
    scores = (feats @ cap.T) * jnp.exp(logit_scale)
    to_pool_obj = jax.nn.log_softmax(scores, axis=-1)
    # avg_pool_by_idx: gather per caption-point pair then segment-average per caption
    gathered = jnp.take(to_pool_obj, caption2point_idx, axis=0)
    sums = jax.ops.segment_sum(gathered, segment_ids, num_segments=N_CAP)
    counts = jax.ops.segment_sum(jnp.ones((N_PAIRS,), dtype=jnp.float32), segment_ids, num_segments=N_CAP)
    pooled_objs = sums / jnp.maximum(counts, 1.0)[:, None]
    real_n_points = counts
    return pooled_objs, real_n_points

if __name__ == "__main__":
    import jax
    _d = setup_inputs()
    print(jax.jit(kernel)(*tuple(_d.values())))

</pallas_src>

<mosaic_0001>
#map = affine_map<(d0, d1) -> (0, 0)>
#map1 = affine_map<(d0, d1) -> (0)>
#map2 = affine_map<(d0, d1) -> (0, 0, 0)>
module attributes {stable_mosaic.version = 14 : i64} {
  func.func @_sc_body(%arg0: i32, %arg1: i32, %arg2: memref<50176x128xf32, #tpu.memory_space<hbm>>, %arg3: memref<100000xi32, #tpu.memory_space<hbm>>, %arg4: memref<32x49x128xi32, #tpu.memory_space<hbm>>, %arg5: memref<32x49x128xi32, #tpu.memory_space<hbm>>, %arg6: memref<129x128xf32, #tpu.memory_space<hbm>>, %arg7: memref<2x129x128xf32, #tpu.memory_space<hbm>>, %arg8: memref<49x128xi32, #tpu.memory_space<vmem>>, %arg9: memref<49x128xi32, #tpu.memory_space<vmem>>, %arg10: memref<128xi32, #tpu.memory_space<vmem>>, %arg11: memref<128x128xf32, #tpu.memory_space<vmem>>, %arg12: memref<129x128xf32, #tpu.memory_space<vmem_shared>>) attributes {dimension_semantics = [#tpu.dimension_semantics<core_parallel>, #tpu.dimension_semantics<subcore_parallel>], iteration_bounds = array<i64: 2, 16>, scalar_prefetch = 0 : i64, scratch_operands = 5 : i64, tpu.core_type = #tpu.core_type<sc_vector_subcore>, window_params = [{transform_indices = #map}, {transform_indices = #map1}, {transform_indices = #map2}, {transform_indices = #map2}, {transform_indices = #map}, {transform_indices = #map2}]} {
    %mul3A = arith.constant 16 : i32
    %mul3A_0 = arith.muli %arg0, %mul3A : i32
    %add3A = arith.addi %mul3A_0, %arg1 : i32
    %eq3A = arith.constant 0 : i32
    %eq3A_1 = arith.cmpi eq, %arg1, %eq3A : i32
    %convert_element_type3A = arith.extui %eq3A_1 : i1 to i32
    %cond3A = arith.constant 0 : i32
    %cond3A_2 = arith.cmpi ne, %convert_element_type3A, %cond3A : i32
    scf.if %cond3A_2 {
      "tpu.region"() ({
        %run_scoped3A = tpu.sem_alloc : memref<!tpu.dma_semaphore, #tpu.memory_space<semaphore_mem>>
        tpu.enqueue_dma source(%arg6 : memref<129x128xf32, #tpu.memory_space<hbm>>) target(%arg12 : memref<129x128xf32, #tpu.memory_space<vmem_shared>>) target_semaphore(%run_scoped3A : memref<!tpu.dma_semaphore, #tpu.memory_space<semaphore_mem>>)
        tpu.wait_dma2 semaphore(%run_scoped3A : memref<!tpu.dma_semaphore, #tpu.memory_space<semaphore_mem>>) src(%arg6 : memref<129x128xf32, #tpu.memory_space<hbm>>) dst(%arg12 : memref<129x128xf32, #tpu.memory_space<vmem_shared>>)
        tpu.yield
      }) : () -> ()
    } else {
    }
    "tpu.region"() ({
      %run_scoped3A = tpu.sem_alloc : memref<!tpu.dma_semaphore, #tpu.memory_space<semaphore_mem>>
      %dma_start3A = arith.constant 0 : i32
      %dma_start3A_14 = arith.constant 0 : i32
      %dma_start3A_15 = tpu.memref_slice %arg4[%add3A, %dma_start3A, %dma_start3A_14] : memref<32x49x128xi32, #tpu.memory_space<hbm>> -> memref<1x49x128xi32, #tpu.memory_space<hbm>>
      %dma_start3A_16 = tpu.memref_squeeze %dma_start3A_15 : memref<1x49x128xi32, #tpu.memory_space<hbm>> -> memref<49x128xi32, #tpu.memory_space<hbm>>
      %dma_start3A_17 = arith.constant 0 : i32
      %dma_start3A_18 = arith.constant 0 : i32
      %dma_start3A_19 = tpu.memref_slice %arg4[%add3A, %dma_start3A_17, %dma_start3A_18] : memref<32x49x128xi32, #tpu.memory_space<hbm>> -> memref<1x49x128xi32, #tpu.memory_space<hbm>>
      %dma_start3A_20 = tpu.memref_squeeze %dma_start3A_19 : memref<1x49x128xi32, #tpu.memory_space<hbm>> -> memref<49x128xi32, #tpu.memory_space<hbm>>
      tpu.enqueue_dma source(%dma_start3A_20 : memref<49x128xi32, #tpu.memory_space<hbm>>) target(%arg8 : memref<49x128xi32, #tpu.memory_space<vmem>>) target_semaphore(%run_scoped3A : memref<!tpu.dma_semaphore, #tpu.memory_space<semaphore_mem>>)
      %dma_wait3A = arith.constant 0 : i32
      %dma_wait3A_21 = arith.constant 0 : i32
      %dma_wait3A_22 = tpu.memref_slice %arg4[%add3A, %dma_wait3A, %dma_wait3A_21] : memref<32x49x128xi32, #tpu.memory_space<hbm>> -> memref<1x49x128xi32, #tpu.memory_space<hbm>>
      %dma_wait3A_23 = tpu.memref_squeeze %dma_wait3A_22 : memref<1x49x128xi32, #tpu.memory_space<hbm>> -> memref<49x128xi32, #tpu.memory_space<hbm>>
      %dma_wait3A_24 = arith.constant 0 : i32
      %dma_wait3A_25 = arith.constant 0 : i32
      %dma_wait3A_26 = tpu.memref_slice %arg4[%add3A, %dma_wait3A_24, %dma_wait3A_25] : memref<32x49x128xi32, #tpu.memory_space<hbm>> -> memref<1x49x128xi32, #tpu.memory_space<hbm>>
      %dma_wait3A_27 = tpu.memref_squeeze %dma_wait3A_26 : memref<1x49x128xi32, #tpu.memory_space<hbm>> -> memref<49x128xi32, #tpu.memory_space<hbm>>
      tpu.wait_dma2 semaphore(%run_scoped3A : memref<!tpu.dma_semaphore, #tpu.memory_space<semaphore_mem>>) src(%dma_wait3A_27 : memref<49x128xi32, #tpu.memory_space<hbm>>) dst(%arg8 : memref<49x128xi32, #tpu.memory_space<vmem>>)
      tpu.yield
    }) : () -> ()
    "tpu.region"() ({
      %run_scoped3A = tpu.sem_alloc : memref<!tpu.dma_semaphore, #tpu.memory_space<semaphore_mem>>
      %dma_start3A = arith.constant 0 : i32
      %dma_start3A_14 = arith.constant 0 : i32
      %dma_start3A_15 = tpu.memref_slice %arg5[%add3A, %dma_start3A, %dma_start3A_14] : memref<32x49x128xi32, #tpu.memory_space<hbm>> -> memref<1x49x128xi32, #tpu.memory_space<hbm>>
      %dma_start3A_16 = tpu.memref_squeeze %dma_start3A_15 : memref<1x49x128xi32, #tpu.memory_space<hbm>> -> memref<49x128xi32, #tpu.memory_space<hbm>>
      %dma_start3A_17 = arith.constant 0 : i32
      %dma_start3A_18 = arith.constant 0 : i32
      %dma_start3A_19 = tpu.memref_slice %arg5[%add3A, %dma_start3A_17, %dma_start3A_18] : memref<32x49x128xi32, #tpu.memory_space<hbm>> -> memref<1x49x128xi32, #tpu.memory_space<hbm>>
      %dma_start3A_20 = tpu.memref_squeeze %dma_start3A_19 : memref<1x49x128xi32, #tpu.memory_space<hbm>> -> memref<49x128xi32, #tpu.memory_space<hbm>>
      tpu.enqueue_dma source(%dma_start3A_20 : memref<49x128xi32, #tpu.memory_space<hbm>>) target(%arg9 : memref<49x128xi32, #tpu.memory_space<vmem>>) target_semaphore(%run_scoped3A : memref<!tpu.dma_semaphore, #tpu.memory_space<semaphore_mem>>)
      %dma_wait3A = arith.constant 0 : i32
      %dma_wait3A_21 = arith.constant 0 : i32
      %dma_wait3A_22 = tpu.memref_slice %arg5[%add3A, %dma_wait3A, %dma_wait3A_21] : memref<32x49x128xi32, #tpu.memory_space<hbm>> -> memref<1x49x128xi32, #tpu.memory_space<hbm>>
      %dma_wait3A_23 = tpu.memref_squeeze %dma_wait3A_22 : memref<1x49x128xi32, #tpu.memory_space<hbm>> -> memref<49x128xi32, #tpu.memory_space<hbm>>
      %dma_wait3A_24 = arith.constant 0 : i32
      %dma_wait3A_25 = arith.constant 0 : i32
      %dma_wait3A_26 = tpu.memref_slice %arg5[%add3A, %dma_wait3A_24, %dma_wait3A_25] : memref<32x49x128xi32, #tpu.memory_space<hbm>> -> memref<1x49x128xi32, #tpu.memory_space<hbm>>
      %dma_wait3A_27 = tpu.memref_squeeze %dma_wait3A_26 : memref<1x49x128xi32, #tpu.memory_space<hbm>> -> memref<49x128xi32, #tpu.memory_space<hbm>>
      tpu.wait_dma2 semaphore(%run_scoped3A : memref<!tpu.dma_semaphore, #tpu.memory_space<semaphore_mem>>) src(%dma_wait3A_27 : memref<49x128xi32, #tpu.memory_space<hbm>>) dst(%arg9 : memref<49x128xi32, #tpu.memory_space<vmem>>)
      tpu.yield
    }) : () -> ()
    %barrier3A = arith.constant 0 : index
    tpu.barrier barrier_id(%barrier3A)
    %scan3A = arith.constant 0 : i32
    %scan3A_3 = arith.constant 0 : i32
    %scan3A_4 = arith.constant 49 : i32
    %scan3A_5 = arith.addi %scan3A_3, %scan3A_4 : i32
    %scan3A_6 = arith.constant 1 : i32
    scf.for %scan3A_14 = %scan3A_3 to %scan3A_5 step %scan3A_6  : i32 {
      "tpu.region"() ({
        %run_scoped3A = tpu.sem_alloc : memref<!tpu.dma_semaphore, #tpu.memory_space<semaphore_mem>>
        %dma_start3A = arith.constant 0 : i32
        %dma_start3A_15 = tpu.memref_slice %arg8[%scan3A_14, %dma_start3A] : memref<49x128xi32, #tpu.memory_space<vmem>> -> memref<1x128xi32, #tpu.memory_space<vmem>>
        %dma_start3A_16 = tpu.memref_squeeze %dma_start3A_15 : memref<1x128xi32, #tpu.memory_space<vmem>> -> memref<128xi32, #tpu.memory_space<vmem>>
        %dma_start3A_17 = arith.constant 0 : i32
        %dma_start3A_18 = tpu.memref_slice %arg3[%dma_start3A_17] : memref<100000xi32, #tpu.memory_space<hbm>> -> memref<100000xi32, #tpu.memory_space<hbm>>
        tpu.enqueue_indirect_dma source(%dma_start3A_18 : memref<100000xi32, #tpu.memory_space<hbm>>) target(%arg10 : memref<128xi32, #tpu.memory_space<vmem>>) offsets(%dma_start3A_16 : memref<128xi32, #tpu.memory_space<vmem>>) semaphore(%run_scoped3A : memref<!tpu.dma_semaphore, #tpu.memory_space<semaphore_mem>>)
        %dma_wait3A = arith.constant 0 : i32
        %dma_wait3A_19 = tpu.memref_slice %arg8[%scan3A_14, %dma_wait3A] : memref<49x128xi32, #tpu.memory_space<vmem>> -> memref<1x128xi32, #tpu.memory_space<vmem>>
        %dma_wait3A_20 = tpu.memref_squeeze %dma_wait3A_19 : memref<1x128xi32, #tpu.memory_space<vmem>> -> memref<128xi32, #tpu.memory_space<vmem>>
        %dma_wait3A_21 = arith.constant 0 : i32
        %dma_wait3A_22 = tpu.memref_slice %arg3[%dma_wait3A_21] : memref<100000xi32, #tpu.memory_space<hbm>> -> memref<100000xi32, #tpu.memory_space<hbm>>
        tpu.wait_indirect_dma semaphore(%run_scoped3A : memref<!tpu.dma_semaphore, #tpu.memory_space<semaphore_mem>>) src(%dma_wait3A_22 : memref<100000xi32, #tpu.memory_space<hbm>>) dst(%arg10 : memref<128xi32, #tpu.memory_space<vmem>>)
        tpu.yield
      }) : () -> ()
      "tpu.region"() ({
        %run_scoped3A = tpu.sem_alloc : memref<!tpu.dma_semaphore, #tpu.memory_space<semaphore_mem>>
        %dma_start3A = arith.constant 0 : i32
        %dma_start3A_15 = arith.constant 0 : i32
        %dma_start3A_16 = tpu.memref_slice %arg2[%dma_start3A, %dma_start3A_15] : memref<50176x128xf32, #tpu.memory_space<hbm>> -> memref<50176x128xf32, #tpu.memory_space<hbm>>
        tpu.enqueue_indirect_dma source(%dma_start3A_16 : memref<50176x128xf32, #tpu.memory_space<hbm>>) target(%arg11 : memref<128x128xf32, #tpu.memory_space<vmem>>) offsets(%arg10 : memref<128xi32, #tpu.memory_space<vmem>>) semaphore(%run_scoped3A : memref<!tpu.dma_semaphore, #tpu.memory_space<semaphore_mem>>)
        %dma_wait3A = arith.constant 0 : i32
        %dma_wait3A_17 = arith.constant 0 : i32
        %dma_wait3A_18 = tpu.memref_slice %arg2[%dma_wait3A, %dma_wait3A_17] : memref<50176x128xf32, #tpu.memory_space<hbm>> -> memref<50176x128xf32, #tpu.memory_space<hbm>>
        tpu.wait_indirect_dma semaphore(%run_scoped3A : memref<!tpu.dma_semaphore, #tpu.memory_space<semaphore_mem>>) src(%dma_wait3A_18 : memref<50176x128xf32, #tpu.memory_space<hbm>>) dst(%arg11 : memref<128x128xf32, #tpu.memory_space<vmem>>)
        tpu.yield
      }) : () -> ()
      "tpu.region"() ({
        %run_scoped3A = tpu.sem_alloc : memref<!tpu.dma_semaphore, #tpu.memory_space<semaphore_mem>>
        %dma_start3A = arith.constant 0 : i32
        %dma_start3A_15 = tpu.memref_slice %arg9[%scan3A_14, %dma_start3A] : memref<49x128xi32, #tpu.memory_space<vmem>> -> memref<1x128xi32, #tpu.memory_space<vmem>>
        %dma_start3A_16 = tpu.memref_squeeze %dma_start3A_15 : memref<1x128xi32, #tpu.memory_space<vmem>> -> memref<128xi32, #tpu.memory_space<vmem>>
        %dma_start3A_17 = arith.constant 0 : i32
        %dma_start3A_18 = arith.constant 0 : i32
        %dma_start3A_19 = tpu.memref_slice %arg12[%dma_start3A_17, %dma_start3A_18] : memref<129x128xf32, #tpu.memory_space<vmem_shared>> -> memref<129x128xf32, #tpu.memory_space<vmem_shared>>
        tpu.enqueue_indirect_dma source(%arg11 : memref<128x128xf32, #tpu.memory_space<vmem>>) target(%dma_start3A_19 : memref<129x128xf32, #tpu.memory_space<vmem_shared>>) offsets(%dma_start3A_16 : memref<128xi32, #tpu.memory_space<vmem>>) semaphore(%run_scoped3A : memref<!tpu.dma_semaphore, #tpu.memory_space<semaphore_mem>>) {add = true}
        %dma_wait3A = arith.constant 0 : i32
        %dma_wait3A_20 = tpu.memref_slice %arg9[%scan3A_14, %dma_wait3A] : memref<49x128xi32, #tpu.memory_space<vmem>> -> memref<1x128xi32, #tpu.memory_space<vmem>>
        %dma_wait3A_21 = tpu.memref_squeeze %dma_wait3A_20 : memref<1x128xi32, #tpu.memory_space<vmem>> -> memref<128xi32, #tpu.memory_space<vmem>>
        %dma_wait3A_22 = arith.constant 0 : i32
        %dma_wait3A_23 = arith.constant 0 : i32
        %dma_wait3A_24 = tpu.memref_slice %arg12[%dma_wait3A_22, %dma_wait3A_23] : memref<129x128xf32, #tpu.memory_space<vmem_shared>> -> memref<129x128xf32, #tpu.memory_space<vmem_shared>>
        tpu.wait_indirect_dma semaphore(%run_scoped3A : memref<!tpu.dma_semaphore, #tpu.memory_space<semaphore_mem>>) src(%arg11 : memref<128x128xf32, #tpu.memory_space<vmem>>) dst(%dma_wait3A_24 : memref<129x128xf32, #tpu.memory_space<vmem_shared>>)
        tpu.yield
      }) : () -> ()
    }
    %scan3A_7 = arith.constant 49 : i32
    %barrier3A_8 = arith.constant 0 : index
    tpu.barrier barrier_id(%barrier3A_8)
    %eq3A_9 = arith.constant 0 : i32
    %eq3A_10 = arith.cmpi eq, %arg1, %eq3A_9 : i32
    %convert_element_type3A_11 = arith.extui %eq3A_10 : i1 to i32
    %cond3A_12 = arith.constant 0 : i32
    %cond3A_13 = arith.cmpi ne, %convert_element_type3A_11, %cond3A_12 : i32
    scf.if %cond3A_13 {
      "tpu.region"() ({
        %run_scoped3A = tpu.sem_alloc : memref<!tpu.dma_semaphore, #tpu.memory_space<semaphore_mem>>
        %dma_start3A = arith.constant 0 : i32
        %dma_start3A_14 = arith.constant 0 : i32
        %dma_start3A_15 = tpu.memref_slice %arg7[%arg0, %dma_start3A, %dma_start3A_14] : memref<2x129x128xf32, #tpu.memory_space<hbm>> -> memref<1x129x128xf32, #tpu.memory_space<hbm>>
        %dma_start3A_16 = tpu.memref_squeeze %dma_start3A_15 : memref<1x129x128xf32, #tpu.memory_space<hbm>> -> memref<129x128xf32, #tpu.memory_space<hbm>>
        tpu.enqueue_dma source(%arg12 : memref<129x128xf32, #tpu.memory_space<vmem_shared>>) target(%dma_start3A_16 : memref<129x128xf32, #tpu.memory_space<hbm>>) target_semaphore(%run_scoped3A : memref<!tpu.dma_semaphore, #tpu.memory_space<semaphore_mem>>)
        %dma_wait3A = arith.constant 0 : i32
        %dma_wait3A_17 = arith.constant 0 : i32
        %dma_wait3A_18 = tpu.memref_slice %arg7[%arg0, %dma_wait3A, %dma_wait3A_17] : memref<2x129x128xf32, #tpu.memory_space<hbm>> -> memref<1x129x128xf32, #tpu.memory_space<hbm>>
        %dma_wait3A_19 = tpu.memref_squeeze %dma_wait3A_18 : memref<1x129x128xf32, #tpu.memory_space<hbm>> -> memref<129x128xf32, #tpu.memory_space<hbm>>
        tpu.wait_dma2 semaphore(%run_scoped3A : memref<!tpu.dma_semaphore, #tpu.memory_space<semaphore_mem>>) src(%arg12 : memref<129x128xf32, #tpu.memory_space<vmem_shared>>) dst(%dma_wait3A_19 : memref<129x128xf32, #tpu.memory_space<hbm>>)
        tpu.yield
      }) : () -> ()
    } else {
    }
    return
  }
}

module attributes {stable_mosaic.version = 14 : i64} {
  func.func @_table_body(%arg0: i32, %arg1: memref<1x1xf32, #tpu.memory_space<vmem>>, %arg2: memref<512x128xf32, #tpu.memory_space<vmem>>, %arg3: memref<128x128xf32, #tpu.memory_space<vmem>>, %arg4: memref<512x128xf32, #tpu.memory_space<vmem>>) attributes {dimension_semantics = [#tpu.dimension_semantics<arbitrary>], iteration_bounds = array<i64: 98>, scalar_prefetch = 0 : i64, scratch_operands = 0 : i64, tpu.core_type = #tpu.core_type<tc>, window_params = [{pipeline_mode = #tpu.pipeline_mode<synchronous>, transform_indices = @transform_0, window_bounds = array<i64: 1, 1>}, {transform_indices = @transform_1, window_bounds = array<i64: 512, 128>}, {pipeline_mode = #tpu.pipeline_mode<synchronous>, transform_indices = @transform_2, window_bounds = array<i64: 128, 128>}, {transform_indices = @transform_3, window_bounds = array<i64: 512, 128>}]} {
    %get3A = arith.constant 0 : index
    %get3A_0 = arith.constant 0 : index
    %get3A_1 = vector.load %arg2[%get3A, %get3A_0] : memref<512x128xf32, #tpu.memory_space<vmem>>, vector<512x128xf32>
    %get3A_2 = arith.constant 0 : index
    %get3A_3 = arith.constant 0 : index
    %get3A_4 = vector.load %arg3[%get3A_2, %get3A_3] : memref<128x128xf32, #tpu.memory_space<vmem>>, vector<128x128xf32>
    %mul3A = arith.mulf %get3A_4, %get3A_4 : vector<128x128xf32>
    %reduce_sum3A = arith.constant dense<0.000000e+00> : vector<128xf32>
    %reduce_sum3A_5 = vector.multi_reduction <add>, %mul3A, %reduce_sum3A [1] : vector<128x128xf32> to vector<128xf32>
    %broadcast_in_dim3A = vector.shape_cast %reduce_sum3A_5 : vector<128xf32> to vector<128x1xf32>
    %sqrt3A = math.sqrt %broadcast_in_dim3A : vector<128x1xf32>
    %add3A = arith.constant 9.99999996E-13 : f32
    %add3A_6 = vector.broadcast %add3A : f32 to vector<128x1xf32>
    %add3A_7 = arith.addf %sqrt3A, %add3A_6 : vector<128x1xf32>
    %div3A = vector.broadcast %add3A_7 : vector<128x1xf32> to vector<128x128xf32>
    %div3A_8 = arith.divf %get3A_4, %div3A : vector<128x128xf32>
    %mul3A_9 = arith.mulf %get3A_1, %get3A_1 : vector<512x128xf32>
    %reduce_sum3A_10 = arith.constant dense<0.000000e+00> : vector<512xf32>
    %reduce_sum3A_11 = vector.multi_reduction <add>, %mul3A_9, %reduce_sum3A_10 [1] : vector<512x128xf32> to vector<512xf32>
    %broadcast_in_dim3A_12 = vector.shape_cast %reduce_sum3A_11 : vector<512xf32> to vector<512x1xf32>
    %sqrt3A_13 = math.sqrt %broadcast_in_dim3A_12 : vector<512x1xf32>
    %add3A_14 = arith.constant 9.99999996E-13 : f32
    %add3A_15 = vector.broadcast %add3A_14 : f32 to vector<512x1xf32>
    %add3A_16 = arith.addf %sqrt3A_13, %add3A_15 : vector<512x1xf32>
    %div3A_17 = vector.broadcast %add3A_16 : vector<512x1xf32> to vector<512x128xf32>
    %div3A_18 = arith.divf %get3A_1, %div3A_17 : vector<512x128xf32>
    %get3A_19 = arith.constant 0 : index
    %get3A_20 = arith.constant 0 : index
    %get3A_21 = vector.load %arg1[%get3A_19, %get3A_20] : memref<1x1xf32, #tpu.memory_space<vmem>>, vector<1x1xf32>
    %get3A_22 = vector.extract %get3A_21[0, 0] : f32 from vector<1x1xf32>
    %exp3A = math.exp %get3A_22 : f32
    %dot_general3A = arith.constant dense<0.000000e+00> : vector<512x128xf32>
    %dot_general3A_23 = tpu.matmul %div3A_18, %div3A_8, %dot_general3A {dimension_numbers = #tpu.dot_dimension_numbers<[1], [1], [0], [0], [0, 0, 1, 0], [], []>, transpose_lhs_hint = false} : vector<512x128xf32>, vector<128x128xf32>, vector<512x128xf32> -> vector<512x128xf32>
    %mul3A_24 = vector.broadcast %exp3A : f32 to vector<512x128xf32>
    %mul3A_25 = arith.mulf %dot_general3A_23, %mul3A_24 : vector<512x128xf32>
    %reduce_max3A = arith.constant dense<0xFF800000> : vector<512xf32>
    %reduce_max3A_26 = vector.multi_reduction <maximumf>, %mul3A_25, %reduce_max3A [1] : vector<512x128xf32> to vector<512xf32>
    %broadcast_in_dim3A_27 = vector.shape_cast %reduce_max3A_26 : vector<512xf32> to vector<512x1xf32>
    %sub3A = vector.broadcast %broadcast_in_dim3A_27 : vector<512x1xf32> to vector<512x128xf32>
    %sub3A_28 = arith.subf %mul3A_25, %sub3A : vector<512x128xf32>
    %exp3A_29 = math.exp %sub3A_28 : vector<512x128xf32>
    %reduce_sum3A_30 = arith.constant dense<0.000000e+00> : vector<512xf32>
    %reduce_sum3A_31 = vector.multi_reduction <add>, %exp3A_29, %reduce_sum3A_30 [1] : vector<512x128xf32> to vector<512xf32>
    %broadcast_in_dim3A_32 = vector.shape_cast %reduce_sum3A_31 : vector<512xf32> to vector<512x1xf32>
    %log3A = math.log %broadcast_in_dim3A_32 : vector<512x1xf32>
    %add3A_33 = arith.addf %broadcast_in_dim3A_27, %log3A : vector<512x1xf32>
    %sub3A_34 = vector.broadcast %add3A_33 : vector<512x1xf32> to vector<512x128xf32>
    %sub3A_35 = arith.subf %mul3A_25, %sub3A_34 : vector<512x128xf32>
    %swap3A = arith.constant 0 : index
    %swap3A_36 = arith.constant 0 : index
    %swap3A_37 = vector.load %arg4[%swap3A, %swap3A_36] : memref<512x128xf32, #tpu.memory_space<vmem>>, vector<512x128xf32>
    tpu.vector_store %arg4[%swap3A, %swap3A_36], %sub3A_35 {strides = array<i32>} : memref<512x128xf32, #tpu.memory_space<vmem>>, vector<512x128xf32>,
    return
  }
  func.func @transform_0(%arg0: i32) -> (i32, i32) {
    %c0_i32 = arith.constant 0 : i32
    %c0_i32_0 = arith.constant 0 : i32
    %c0_i32_1 = arith.constant 0 : i32
    return %c0_i32, %c0_i32_0 : i32, i32
  }
  func.func @transform_1(%arg0: i32) -> (i32, i32) {
    %c0_i32 = arith.constant 0 : i32
    %c0_i32_0 = arith.constant 0 : i32
    return %arg0, %c0_i32 : i32, i32
  }
  func.func @transform_2(%arg0: i32) -> (i32, i32) {
    %c0_i32 = arith.constant 0 : i32
    %c0_i32_0 = arith.constant 0 : i32
    %c0_i32_1 = arith.constant 0 : i32
    return %c0_i32, %c0_i32_0 : i32, i32
  }
  func.func @transform_3(%arg0: i32) -> (i32, i32) {
    %c0_i32 = arith.constant 0 : i32
    %c0_i32_0 = arith.constant 0 : i32
    return %arg0, %c0_i32 : i32, i32
  }
}

module attributes {stable_mosaic.version = 14 : i64} {
  func.func @_cnt_body(%arg0: i32, %arg1: memref<3136x1xi32, #tpu.memory_space<vmem>>, %arg2: memref<128x1xf32, #tpu.memory_space<vmem>>) attributes {dimension_semantics = [#tpu.dimension_semantics<arbitrary>], iteration_bounds = array<i64: 64>, scalar_prefetch = 0 : i64, scratch_operands = 0 : i64, tpu.core_type = #tpu.core_type<tc>, window_params = [{transform_indices = @transform_0, window_bounds = array<i64: 3136, 1>}, {pipeline_mode = #tpu.pipeline_mode<synchronous>, transform_indices = @transform_1, window_bounds = array<i64: 128, 1>}]} {
    %eq3A = arith.constant 0 : i32
    %eq3A_0 = arith.cmpi eq, %arg0, %eq3A : i32
    %convert_element_type3A = arith.extui %eq3A_0 : i1 to i32
    %cond3A = arith.constant 0 : i32
    %cond3A_1 = arith.cmpi ne, %convert_element_type3A, %cond3A : i32
    scf.if %cond3A_1 {
      %broadcast_in_dim3A_16 = arith.constant 0.000000e+00 : f32
      %broadcast_in_dim3A_17 = vector.broadcast %broadcast_in_dim3A_16 : f32 to vector<128x1xf32>
      %swap3A_18 = arith.constant 0 : index
      %swap3A_19 = arith.constant 0 : index
      %swap3A_20 = vector.load %arg2[%swap3A_18, %swap3A_19] : memref<128x1xf32, #tpu.memory_space<vmem>>, vector<128x1xf32>
      tpu.vector_store %arg2[%swap3A_18, %swap3A_19], %broadcast_in_dim3A_17 {strides = array<i32>} : memref<128x1xf32, #tpu.memory_space<vmem>>, vector<128x1xf32>,
    } else {
    }
    %get3A = arith.constant 0 : index
    %get3A_2 = arith.constant 0 : index
    %get3A_3 = vector.load %arg1[%get3A, %get3A_2] : memref<3136x1xi32, #tpu.memory_space<vmem>>, vector<3136x1xi32>
    %iota3A = tpu.iota {dimensions = array<i32: 1>} : vector<1x128xi32>
    %eq3A_4 = vector.broadcast %get3A_3 : vector<3136x1xi32> to vector<3136x128xi32>
    %eq3A_5 = vector.broadcast %iota3A : vector<1x128xi32> to vector<3136x128xi32>
    %eq3A_6 = arith.cmpi eq, %eq3A_4, %eq3A_5 : vector<3136x128xi32>
    %convert_element_type3A_7 = arith.extui %eq3A_6 : vector<3136x128xi1> to vector<3136x128xi32>
    %convert_element_type3A_8 = arith.sitofp %convert_element_type3A_7 : vector<3136x128xi32> to vector<3136x128xf32>
    %broadcast_in_dim3A = arith.constant 1.000000e+00 : f32
    %broadcast_in_dim3A_9 = vector.broadcast %broadcast_in_dim3A : f32 to vector<3136x1xf32>
    %dot_general3A = arith.constant dense<0.000000e+00> : vector<128x1xf32>
    %dot_general3A_10 = tpu.matmul %convert_element_type3A_8, %broadcast_in_dim3A_9, %dot_general3A {dimension_numbers = #tpu.dot_dimension_numbers<[0], [0], [1], [1], [0, 1, 1, 1], [], []>, transpose_lhs_hint = false} : vector<3136x128xf32>, vector<3136x1xf32>, vector<128x1xf32> -> vector<128x1xf32>
    %get3A_11 = arith.constant 0 : index
    %get3A_12 = arith.constant 0 : index
    %get3A_13 = vector.load %arg2[%get3A_11, %get3A_12] : memref<128x1xf32, #tpu.memory_space<vmem>>, vector<128x1xf32>
    %add3A = arith.addf %get3A_13, %dot_general3A_10 : vector<128x1xf32>
    %swap3A = arith.constant 0 : index
    %swap3A_14 = arith.constant 0 : index
    %swap3A_15 = vector.load %arg2[%swap3A, %swap3A_14] : memref<128x1xf32, #tpu.memory_space<vmem>>, vector<128x1xf32>
    tpu.vector_store %arg2[%swap3A, %swap3A_14], %add3A {strides = array<i32>} : memref<128x1xf32, #tpu.memory_space<vmem>>, vector<128x1xf32>,
    return
  }
  func.func @transform_0(%arg0: i32) -> (i32, i32) {
    %c0_i32 = arith.constant 0 : i32
    %c0_i32_0 = arith.constant 0 : i32
    return %arg0, %c0_i32 : i32, i32
  }
  func.func @transform_1(%arg0: i32) -> (i32, i32) {
    %c0_i32 = arith.constant 0 : i32
    %c0_i32_0 = arith.constant 0 : i32
    %c0_i32_1 = arith.constant 0 : i32
    return %c0_i32, %c0_i32_0 : i32, i32
  }
}

module attributes {stable_mosaic.version = 14 : i64} {
  func.func @_fin_body(%arg0: memref<2x128x128xf32, #tpu.memory_space<vmem>>, %arg1: memref<128x1xf32, #tpu.memory_space<vmem>>, %arg2: memref<128x128xf32, #tpu.memory_space<vmem>>, %arg3: memref<128x1xf32, #tpu.memory_space<vmem>>) attributes {dimension_semantics = [], scalar_prefetch = 0 : i64, scratch_operands = 0 : i64, tpu.core_type = #tpu.core_type<tc>} {
    %get3A = arith.constant 0 : index
    %get3A_0 = arith.constant 0 : index
    %get3A_1 = arith.constant 0 : index
    %get3A_2 = vector.load %arg0[%get3A, %get3A_0, %get3A_1] : memref<2x128x128xf32, #tpu.memory_space<vmem>>, vector<1x128x128xf32>
    %get3A_3 = vector.shape_cast %get3A_2 : vector<1x128x128xf32> to vector<128x128xf32>
    %get3A_4 = arith.constant 1 : index
    %get3A_5 = arith.constant 0 : index
    %get3A_6 = arith.constant 0 : index
    %get3A_7 = vector.load %arg0[%get3A_4, %get3A_5, %get3A_6] : memref<2x128x128xf32, #tpu.memory_space<vmem>>, vector<1x128x128xf32>
    %get3A_8 = vector.shape_cast %get3A_7 : vector<1x128x128xf32> to vector<128x128xf32>
    %add3A = arith.addf %get3A_3, %get3A_8 : vector<128x128xf32>
    %get3A_9 = arith.constant 0 : index
    %get3A_10 = arith.constant 0 : index
    %get3A_11 = vector.load %arg1[%get3A_9, %get3A_10] : memref<128x1xf32, #tpu.memory_space<vmem>>, vector<128x1xf32>
    %max3A = arith.constant 1.000000e+00 : f32
    %max3A_12 = vector.broadcast %max3A : f32 to vector<128x1xf32>
    %max3A_13 = arith.maximumf %get3A_11, %max3A_12 : vector<128x1xf32>
    %div3A = vector.broadcast %max3A_13 : vector<128x1xf32> to vector<128x128xf32>
    %div3A_14 = arith.divf %add3A, %div3A : vector<128x128xf32>
    %swap3A = arith.constant 0 : index
    %swap3A_15 = arith.constant 0 : index
    %swap3A_16 = vector.load %arg2[%swap3A, %swap3A_15] : memref<128x128xf32, #tpu.memory_space<vmem>>, vector<128x128xf32>
    tpu.vector_store %arg2[%swap3A, %swap3A_15], %div3A_14 {strides = array<i32>} : memref<128x128xf32, #tpu.memory_space<vmem>>, vector<128x128xf32>,
    %swap3A_17 = arith.constant 0 : index
    %swap3A_18 = arith.constant 0 : index
    %swap3A_19 = vector.load %arg3[%swap3A_17, %swap3A_18] : memref<128x1xf32, #tpu.memory_space<vmem>>, vector<128x1xf32>
    tpu.vector_store %arg3[%swap3A_17, %swap3A_18], %get3A_11 {strides = array<i32>} : memref<128x1xf32, #tpu.memory_space<vmem>>, vector<128x1xf32>,
    return
  }
}

</mosaic_0001>

<sc_bundles>
// kernel: kernel.6.cloned.1.call-start
scs
__scs_entry_jumppad:
0x0: {  	(pc) =	sbr.rel $0x88, $3  }
0x1: {  	(tag) =	ssettag $0x0;
	lr =	simm.s32 $0x1  }
0x2: {  	[smem:$0x3F9B] =	sst lr;
	_ =	strace $0xD0000000  }
0x3: {  	_ = 	snop  }
0x4: {  	_ = 	snop  }
0x5: {  	_ = 	snop  }
0x6: {  	_ = 	snop  }
0x7: {  	_ = 	snop  }
__scs_overlays_trampoline_lowered:
0x8: {  	[smem:$0x3FAA] =	sst s0  }
0x9: {  	[smem:$0x3FAB] =	sst s1  }
0xa: {  	[smem:$0x3FAC] =	sst s2  }
0xb: {  	[smem:$0x3FAD] =	sst s3  }
0xc: {  	[smem:$0x3FAE] =	sst s4  }
0xd: {  	[smem:$0x3FAF] =	sst s5  }
0xe: {  	[smem:$0x3FB0] =	sst s6  }
0xf: {  	[smem:$0x3FB1] =	sst s7  }
0x10: {  	[smem:$0x3FB2] =	sst s8  }
0x11: {  	[smem:$0x3FB3] =	sst s9;
	s0 =	simm.s32 @!p0 $0x0  }
0x12: {  	s1 =	sld [smem:$0x3F99];
	s0 =	simm.s32 @p0 $0x1  }
0x13: {  	[smem:$0x3FB4] =	sst s0;
	s0 =	simm.s32 @!p1 $0x0  }
0x14: {  	s2 =	sld [smem:$0x3F98];
	s0 =	simm.s32 @p1 $0x1  }
0x15: {  	[smem:$0x3FB5] =	sst s0;
	s0 =	simm.s32 @!p2 $0x0  }
0x16: {  	s3 =	sld [smem:$0x3FDB];
	s0 =	simm.s32 @p2 $0x1  }
0x17: {  	s4 =	simm.s32 $0x1BF5;
	[smem:$0x3FB7] =	sst s0  }
0x18: {  	s0 =	sld [smem:$0x3F9A];
	_ =	swait.ge [sflag:s4], $0x0  }
0x19: {  	s7 =	sld [smem:$0x3F9B]  }
0x1a: {  	s8 =	sadd.s32 $0xFFFFE003, lr  }
0x1b: {  	s9 =	sadd.s32 $0xFFFFFEF7, lr;
	s5 =	simm.s32 $0xFFFFFFFF;
	p2 =	slt.u32 s8, $0xFFFFF086  }
0x1c: {  	p1 =	slt.u32 s9, $0xF7A;
	s5 =	simm.s32 @!p2 $0x0  }
0x1d: {  	s5 =	simm.s32 @p1 $0x1;
	p0 =	seq.s32 s7, s2  }
0x1e: {  	s7 =	smul.u32 @!p0 $0xF7A, s2;
	p2 =	seq.s32 @!p0 s5, $0x0  }
0x1f: {  	s9 =	smul.u32 $0xF7A, s1;
	s8 =	simm.s32 @!p0 $0x1BF5;
	p2 =	por !p2, p0  }
0x20: {  	[sflag:s8] =	ssyncset.s32 @!p0 $0xFFFFF086;
	s6 =	sadd.s32 @!p0 s3, s7;
	s7 =	simm.s32 @!p0 $0x108  }
0x21: {  	s3 =	sadd.s32 s3, s9;
	s6 =	sadd.s32 @!p0 $0x88, s6;
	s7 =	simm.s32 @p2 $0x1082  }
0x22: {  	[simem:s7], [sflag:s8] =	dma.local @!p0 [hbm:s6], $0xF7A  }
0x23: {  	s9 =	sor.u32 $0xD0000000, s2;
	s6 =	simm.s32 $0x108;
	_ =	swait.ge @!p0 [sflag:s8], $0x0  }
0x24: {  	s3 =	sadd.s32 $0x88, s3;
	s6 =	simm.s32 @!p1 $0x1082;
	[sflag:s4] =	ssyncset.s32 $0xFFFFF086  }
0x25: {  	[simem:s6], [sflag:s4] =	dma.local [hbm:s3], $0xF7A  }
0x26: {  	[smem:$0x3F9B] =	sst s1;
	(tag) =	ssettag s2;
	_ =	strace s9  }
0x27: {  	s1 =	sld [smem:$0x3FAB]  }
0x28: {  	s2 =	sld [smem:$0x3FAC]  }
0x29: {  	s4 =	sld [smem:$0x3FAE]  }
0x2a: {  	p0 =	seq.s32 s5, $0x0;
	s5 =	sld [smem:$0x3FAF]  }
0x2b: {  	s6 =	sld [smem:$0x3FB0]  }
0x2c: {  	s7 =	sld [smem:$0x3FB1]  }
0x2d: {  	s3 =	simm.s32 $0x108;
	s8 =	sld [smem:$0x3FB2]  }
0x2e: {  	s3 =	simm.s32 @!p0 $0x1082;
	s9 =	sld [smem:$0x3FB3]  }
0x2f: {  	lr =	sadd.s32 s0, s3;
	s0 =	sld [smem:$0x3FAA]  }
0x30: {  	s3 =	sld [smem:$0x3FAD]  }
0x31: {  	[smem:$0x3FB6] =	sst s10  }
0x32: {  	s10 =	sld [smem:$0x3FB4];
	_ =	sdelay $0x3  }
0x33: {  	p0 =	seq.s32 s10, $0x1;
	s10 =	sld [smem:$0x3FB6];
	_ =	sdelay $0x3  }
0x34: {  	[smem:$0x3FB6] =	sst s10  }
0x35: {  	s10 =	sld [smem:$0x3FB5];
	_ =	sdelay $0x3  }
0x36: {  	p1 =	seq.s32 s10, $0x1;
	s10 =	sld [smem:$0x3FB6];
	_ =	sdelay $0x3  }
0x37: {  	[smem:$0x3FB6] =	sst s10  }
0x38: {  	s10 =	sld [smem:$0x3FB7]  }
0x39: {  	_ = 	snop;
	(pc) =	sbr.ind lr, $3  }
0x3a: {  	_ = 	snop  }
0x3b: {  	_ = 	snop  }
0x3c: {  	p2 =	seq.s32 s10, $0x1;
	s10 =	sld [smem:$0x3FB6]  }
0x3d: {  	_ =	shalt  }
0x3e: {  	_ =	shalt  }
0x3f: {  	_ =	shalt  }
0x40: {  	_ =	shalt  }
0x41: {  	_ =	shalt  }
0x42: {  	_ =	shalt  }
0x43: {  	_ =	shalt  }
0x44: {  	_ =	shalt  }
0x45: {  	_ =	shalt  }
0x46: {  	_ =	shalt  }
0x47: {  	_ =	shalt  }
0x48: {  	_ =	shalt  }
0x49: {  	_ =	shalt  }
0x4a: {  	_ =	shalt  }
0x4b: {  	_ =	shalt  }
0x4c: {  	_ =	shalt  }
0x4d: {  	_ =	shalt  }
0x4e: {  	_ =	shalt  }
0x4f: {  	_ =	shalt  }
0x50: {  	_ =	shalt  }
0x51: {  	_ =	shalt  }
0x52: {  	_ =	shalt  }
0x53: {  	_ =	shalt  }
0x54: {  	_ =	shalt  }
0x55: {  	_ =	shalt  }
0x56: {  	_ =	shalt  }
0x57: {  	_ =	shalt  }
0x58: {  	_ =	shalt  }
0x59: {  	_ =	shalt  }
0x5a: {  	_ =	shalt  }
0x5b: {  	_ =	shalt  }
0x5c: {  	_ =	shalt  }
0x5d: {  	_ =	shalt  }
0x5e: {  	_ =	shalt  }
0x5f: {  	_ =	shalt  }
0x60: {  	_ =	shalt  }
0x61: {  	_ =	shalt  }
0x62: {  	_ =	shalt  }
0x63: {  	_ =	shalt  }
0x64: {  	_ =	shalt  }
0x65: {  	_ =	shalt  }
0x66: {  	_ =	shalt  }
0x67: {  	_ =	shalt  }
0x68: {  	_ =	shalt  }
0x69: {  	_ =	shalt  }
0x6a: {  	_ =	shalt  }
0x6b: {  	_ =	shalt  }
0x6c: {  	_ =	shalt  }
0x6d: {  	_ =	shalt  }
0x6e: {  	_ =	shalt  }
0x6f: {  	_ =	shalt  }
0x70: {  	_ =	shalt  }
0x71: {  	_ =	shalt  }
0x72: {  	_ =	shalt  }
0x73: {  	_ =	shalt  }
0x74: {  	_ =	shalt  }
0x75: {  	_ =	shalt  }
0x76: {  	_ =	shalt  }
0x77: {  	_ =	shalt  }
0x78: {  	_ =	shalt  }
0x79: {  	_ =	shalt  }
0x7a: {  	_ =	shalt  }
0x7b: {  	_ =	shalt  }
0x7c: {  	_ =	shalt  }
0x7d: {  	_ =	shalt  }
0x7e: {  	_ =	shalt  }
0x7f: {  	_ =	shalt  }
0x80: {  	_ =	shalt  }
0x81: {  	_ =	shalt  }
0x82: {  	_ =	shalt  }
0x83: {  	_ =	shalt  }
0x84: {  	_ =	shalt  }
0x85: {  	_ =	shalt  }
0x86: {  	_ =	shalt  }
0x87: {  	_ =	shalt  }
.Lfunc_end0:
.L_simem_size_0:
called_computation_lowered:
.L_overlay_start_0:
0x88: {  	s2 =	sld [smem:$0x3FD9]  }
0x89: {  	s3 =	sld [smem:$0x3FFE];
	_ =	sdelay $0x1  }
0x8a: {  	s1 =	srdreg.scid  }
0x8b: {  	s0 =	sand.u32 $0x1, s1  }
0x8c: {  	s17 =	sshll.u32 s0, $0xA;
	s2 =	sadd.s32 s3, s2  }
0x8d: {  	s2 =	sadd.s32 s2, s17  }
0x8e: {  	[smem:$0x3FC2] =	sst s2  }
0x8f: {  	_ = 	snop  }
0x90: {  	s2 =	sld [smem:$0x3FC8];
	(tm) =	ssettm $0x1  }
0x91: {  	s18 =	sld [smem:$0x3FFB];
	_ =	sdelay $0x3  }
0x92: {  	_ =	strace s18  }
0x93: {  	s3 =	sld [smem:$0x3FFC];
	_ =	sdelay $0x3  }
0x94: {  	_ =	strace s3  }
0x95: {  	s3 =	sld [smem:$0x3FFD];
	_ =	sdelay $0x3  }
0x96: {  	_ =	strace s3  }
0x97: {  	_ =	strace $0x8FFFFFFF  }
0x98: {  	s19 =	sld [smem:$0x3FDB];
	_ =	sdelay $0x1  }
0x99: {  	s4 =	simm.s32 $_scs_section_size  }
0x9a: {  	s5 =	simm.s32 $_size__tile_overlayer_lowered;
	s6 =	simm.s32 $_tile_overlayer_lowered  }
0x9b: {  	s22 =	simm.s32 $0x1BFF;
	s21 =	sshll.u32 s6, $0x1;
	s3 =	sadd.s32 s4, s19  }
0x9c: {  	s7 =	simm.s32 $0x0;
	s20 =	sshll.u32 s5, $0x1;
	s5 =	sadd.s32 s21, s3  }
0x9d: {  	[timem:s7], [sflag:s22] =	dma.local [hbm:s5], s20  }
0x9e: {  	_ =	swait.ge [sflag:s22], s20  }
0x9f: {  	s4 =	ssub.s32 $0x0, s20;
	[sflag:s22] =	ssyncset.done $0x0  }
0xa0: {  	[sflag:s22] =	ssyncadd.s32 s4;
	_ =	sdelay $0x1  }
0xa1: {  	s23 =	simm.s32 $0x1B8B  }
0xa2: {  	_ =	swait.ge [sflag:s23], $0x1  }
0xa3: {  	[sflag:s23] =	ssyncset.done $0x0  }
0xa4: {  	s25 =	simm.s32 $0x1B8E;
	s24 =	sld [smem:$0x3FFE];
	[sflag:s23] =	ssyncadd.s32 $0xFFFFFFFF  }
0xa5: {  	s26 =	simm.s32 $execute0_lowered;
	[smem:$0x3FD2] =	sst s25  }
0xa6: {  	s5 =	sshll.u32 s26, $0x1;
	_ =	strace $0x80000046;
	[dreg:$0x1] =	wrdreg $0xFFFFFFFF  }
0xa7: {  	s28 =	simm.s32 $_size_execute0_lowered;
	s3 =	sadd.s32 s3, s5;
	[dreg:$0x0] =	wrdreg $0x0  }
0xa8: {  	s5 =	sshll.u32 s28, $0x1;
	[dreg:$0x2] =	wrdreg s3  }
0xa9: {  	[dreg:$0x3] =	wrdreg s5  }
0xaa: {  	[dreg:$0x4] =	wrdreg $0xC0  }
0xab: {  	_ =	task [dreg:s7], $0x5FFFF  }
0xac: {  	[dreg:$0x1] =	wrdreg $0xFFFFFFFF  }
0xad: {  	[dreg:$0x0] =	wrdreg $0x60  }
0xae: {  	[dreg:$0x2] =	wrdreg s24  }
0xaf: {  	[dreg:$0x3] =	wrdreg s2  }
0xb0: {  	[dreg:$0x4] =	wrdreg $0x78800  }
0xb1: {  	[dreg:$0x5] =	wrdreg $0x9  }
0xb2: {  	_ =	task.clear_ibuf [dreg:s7], $0x6FFFF;
	_ =	strace $0x90000046  }
0xb3: {  	s29 =	simm.s32 $0x9;
	_ =	strace $0x80000048  }
0xb4: {  	_ =	swait.ge [sflag:s29], $0x1  }
0xb5: {  	[sflag:s29] =	ssyncadd.s32 $0xFFFFFFFF  }
0xb6: {  	_ =	strace $0x90000048  }
0xb7: {  	_ =	sfence  }
0xb8: {  	s30 =	sld [smem:$0x0];
	_ =	sdelay $0x2  }
0xb9: {  	s31 =	sshll.u32 s1, $0xD;
	s1 =	sshrl.u32 s1, $0x2  }
0xba: {  	s3 =	sand.u32 $0x4000, s31;
	s1 =	sadd.s32 s1, s30  }
0xbb: {  	s0 =	sor.u32 s3, s0;
	s1 =	sshll.u32 s1, $0x11  }
0xbc: {  	s0 =	sor.u32 s1, s0  }
0xbd: {  	s0 =	sadd.s32 $0x8F2B, s0  }
0xbe: {  	[sflag:s0] =	ssyncadd.remote.s32 $0x1  }
0xbf: {  	_ =	sfence.sel $0xFFFF  }
0xc0: {  	[dreg:$0x0] =	wrdreg $0xFFFFFFFF;
	(pc) =	sbr.abs _section_cstart, $3  }
0xc1: {  	[dreg:$0x1] =	wrdreg $0xFFFFFFFF  }
0xc2: {  	_ =	task.clear_ibuf [dreg:s7], $0x2FFFF;
	_ =	strace $0x9FFFFFFF  }
0xc3: {  	(tm) =	ssettm $0x7FFFFFFF  }
tec
execute0_lowered:
.L_overlay_start_1:
0x0: {  	(tag) =	ssettag $0x1  }
0x1: {  	s6 =	rddreg [dreg:$0x0]  }
0x2: {  	s0 =	srdreg.scid;
	s1 =	rddreg [dreg:$0x1]  }
0x3: {  	s2 =	rddreg [dreg:$0x2];
	s8 =	stileid.u32;
	s3 =	simm.s32 $0x0  }
0x4: {  	s13 =	simm.s32 $0x80;
	s14 =	simm.s32 $0x3800;
	s15 =	simm.s32 $0x3880  }
0x5: {  	s16 =	simm.s32 $0x0;
	s4 =	sand.u32 $0x1, s0;
	s0 =	rddreg [dreg:$0x3]  }
0x6: {  	[smem:$0x7FF] =	sst s3;
	p0 =	sne.s32 s8, $0x0;
	s5 =	sshll.u32 s4, $0x4  }
0x7: {  	_ =	strace $0x80000047;
	s7 =	smul.u32 $0x880, s4;
	s9 =	ssub.s32 $0x2, s4  }
0x8: {  	s4 =	sadd.s32 $0xD2400, s6;
	s5 =	sor.u32 s8, s5;
	s11 =	sshrl.u32 s9, $0x1  }
0x9: {  	s5 =	smul.u32 $0x380, s5;
	s12 =	sadd.s32 s7, s6;
	s9 =	ssub.s32 s9, s11  }
0xa: {  	s11 =	simm.s32 $0x1;
	s8 =	sadd.s32 $0xEE00, s12;
	s9 =	smax.u32 s9, $0x1  }
0xb: {  	s12 =	simm.s32 $0x1C00;
	s10 =	sadd.s32 s5, s6;
	s5 =	sadd.s32 $0xE400, s6  }
0xc: {  	s6 =	sadd.s32 $0x7400, s10;
	s7 =	sadd.s32 $0x400, s10;
	s10 =	sshrl.u32 @!p0 s2, $0x3  }
.LBB2_1:
0xd: {  	s17 =	simm.s32 @!p0 $0x1C01  }
0xe: {  	[spmem:s10], [sflag:s17] =	dma.local @!p0 [hbm:s5], $0x810  }
0xf: {  	s17 =	simm.s32 @!p0 $0x1  }
0x10: {  	_ =	swait.ge @!p0 [sflag:s17], $0x810  }
0x11: {  	[sflag:s17] =	ssyncset.done @!p0 $0x0  }
0x12: {  	[sflag:s17] =	ssyncadd.s32 @!p0 $0xFFFFF7F0  }
0x13: {  	[tilespmem:s3], [sflag:$0x1] =	stream.linear.gather [hbm4b:s6+s3], $0x1880, $0x38;
	[tilespmem:$0x7C88] =	vst v63  }
0x14: {  	_ =	swait.ge [sflag:s11], $0x1880  }
0x15: {  	[sflag:s11] =	ssyncset.done $0x0  }
0x16: {  	[sflag:s11] =	ssyncadd.s32 $0xFFFFE780  }
0x17: {  	[tilespmem:s12], [sflag:$0x1] =	stream.linear.gather [hbm4b:s7+s3], $0x1880, $0x38;
	[tilespmem:$0x7C88] =	vst v63  }
0x18: {  	_ =	swait.ge [sflag:s11], $0x1880  }
0x19: {  	[sflag:s11] =	ssyncset.done $0x0  }
0x1a: {  	[sflag:s11] =	ssyncadd.s32 $0xFFFFE780  }
0x1b: {  	s30 =	simm.s32 $0x0;
	[bflag:$0x0] =	sbarrier.arrive $0xFFFF  }
0x1c: {  	[tilespmem:s14], [sflag:$0x1] =	stream.indirect.gather [hbm4b:s1+s13], $0x1, s30, s13, $0xb8;
	[tilespmem:$0x7C88] =	vst v63  }
0x1d: {  	_ =	swait.ge [sflag:s11], $0x80  }
0x1e: {  	[sflag:s11] =	ssyncset.done $0x0  }
0x1f: {  	[sflag:s11] =	ssyncadd.s32 $0xFFFFFF80  }
0x20: {  	[tilespmem:s15], [sflag:$0x1] =	stream.indirect.gather [hbm4b:s4+s13], $0x80, s14, s13, $0xb8;
	[tilespmem:$0x7C88] =	vst v63  }
0x21: {  	_ =	swait.ge [sflag:s11], $0x4000  }
0x22: {  	[sflag:s11] =	ssyncset.done $0x0  }
0x23: {  	s31 =	simm.s32 $0x1C00;
	[sflag:s11] =	ssyncadd.s32 $0xFFFFC000  }
0x24: {  	[spmem:s2] =	stream.indirect.scatter.add.f32 [tilespmem:s15], [sflag:$0x1], $0x80, s31, s13, $0xb8;
	[tilespmem:$0x7C88] =	vst v63  }
0x25: {  	_ =	swait.ge [sflag:s11], $0x4000  }
0x26: {  	s18 =	simm.s32 $0x400;
	s17 =	simm.s32 $0x200;
	[sflag:s11] =	ssyncset.done $0x0  }
.LBB2_2:
0x27: {  	s19 =	sshra.s32 s17, $0x2  }
0x28: {  	[sflag:s11] =	ssyncadd.s32 $0xFFFFC000;
	s17 =	smov.u32 s18;
	s20 =	sadd.s32 $0x200, s18  }
0x29: {  	[tilespmem:s14], [sflag:$0x1] =	stream.indirect.gather [hbm4b:s1+s13], $0x1, s19, s13, $0xb8;
	[tilespmem:$0x7C88] =	vst v63  }
0x2a: {  	p1 =	sne.s32 s18, $0x6000;
	_ =	swait.ge [sflag:s11], $0x80  }
0x2b: {  	[sflag:s11] =	ssyncset.done $0x0  }
0x2c: {  	[sflag:s11] =	ssyncadd.s32 $0xFFFFFF80  }
0x2d: {  	[tilespmem:s15], [sflag:$0x1] =	stream.indirect.gather [hbm4b:s4+s13], $0x80, s14, s13, $0xb8;
	[tilespmem:$0x7C88] =	vst v63  }
0x2e: {  	_ =	swait.ge [sflag:s11], $0x4000  }
.Ltmp0:
0x2f: {  	[sflag:s11] =	ssyncset.done $0x0;
	(pc) =	sbr.rel @p1 .LBB2_2-.Ltmp0, $4  }
0x30: {  	s18 =	sadd.s32 $0x1C00, s19;
	[sflag:s11] =	ssyncadd.s32 $0xFFFFC000  }
0x31: {  	[spmem:s2] =	stream.indirect.scatter.add.f32 [tilespmem:s15], [sflag:$0x1], $0x80, s18, s13, $0xb8;
	[tilespmem:$0x7C88] =	vst v63  }
0x32: {  	_ =	swait.ge [sflag:s11], $0x4000  }
0x33: {  	s18 =	smov.u32 s20;
	[sflag:s11] =	ssyncset.done $0x0  }
0x34: {  	s17 =	sshra.s32 s17, $0x2;
	[sflag:s11] =	ssyncadd.s32 $0xFFFFC000  }
0x35: {  	[tilespmem:s14], [sflag:$0x1] =	stream.indirect.gather [hbm4b:s1+s13], $0x1, s17, s13, $0xb8;
	[tilespmem:$0x7C88] =	vst v63  }
0x36: {  	_ =	swait.ge [sflag:s11], $0x80  }
0x37: {  	[sflag:s11] =	ssyncset.done $0x0  }
0x38: {  	[sflag:s11] =	ssyncadd.s32 $0xFFFFFF80  }
0x39: {  	[tilespmem:s15], [sflag:$0x1] =	stream.indirect.gather [hbm4b:s4+s13], $0x80, s14, s13, $0xb8;
	[tilespmem:$0x7C88] =	vst v63  }
0x3a: {  	_ =	swait.ge [sflag:s11], $0x4000  }
0x3b: {  	[sflag:s11] =	ssyncset.done $0x0  }
0x3c: {  	s17 =	sadd.s32 $0x1C00, s17;
	[sflag:s11] =	ssyncadd.s32 $0xFFFFC000  }
0x3d: {  	[spmem:s2] =	stream.indirect.scatter.add.f32 [tilespmem:s15], [sflag:$0x1], $0x80, s17, s13, $0xb8;
	[tilespmem:$0x7C88] =	vst v63  }
0x3e: {  	_ =	swait.ge [sflag:s11], $0x4000  }
0x3f: {  	[sflag:s11] =	ssyncset.done $0x0  }
0x40: {  	s16 =	sadd.s32 $0x1, s16;
	[sflag:s11] =	ssyncadd.s32 $0xFFFFC000  }
0x41: {  	p1 =	sne.s32 s16, s9;
	s17 =	simm.s32 @!p0 $0x1C01;
	[bflag:$0x0] =	sbarrier.arrive $0xFFFF  }
0x42: {  	[hbm:s8], [sflag:s17] =	dma.local @!p0 [spmem:s10], $0x810  }
.Ltmp1:
0x43: {  	_ = 	snop;
	(pc) =	sbr.rel @p1 .LBB2_1-.Ltmp1, $4  }
0x44: {  	s17 =	simm.s32 @!p0 $0x1  }
0x45: {  	_ =	swait.ge @!p0 [sflag:s17], $0x810  }
0x46: {  	[sflag:s17] =	ssyncset.done @!p0 $0x0  }
0x47: {  	[sflag:s17] =	ssyncadd.s32 @!p0 $0xFFFFF7F0  }
0x48: {  	_ =	sfence.sel $0x180000  }
0x49: {  	[bflag:$0x0] =	sbarrier.arrive $0xFFFF  }
0x4a: {  	_ =	strace $0x90000047  }
0x4b: {  	s0 =	sadd.s32 @!p0 $0x100000, s0;
	[bflag:$0x2] =	sbarrier.arrive $0xFFFF  }
0x4c: {  	[sflag:s0] =	ssyncadd.tile.s32 @!p0 $0x1;
	_ =	shalt  }
.Lfunc_end2:
_tile_overlayer_lowered:
.L_overlay_start_2:
0x4d: {  	(tag) =	ssettag $0x2  }
0x4e: {  	s0 =	rddreg [dreg:$0x0];
	s2 =	stileid.u32  }
0x4f: {  	s1 =	rddreg [dreg:$0x1];
	p0 =	sne.s32 s2, $0x0  }
0x50: {  	s3 =	rddreg [dreg:$0x2];
	[bflag:$0x3] =	sbarrier.arrive $0xFFFF;
	s2 =	simm.s32 @!p0 $0x1C01  }
0x51: {  	[timem:s3], [sflag:s2] =	dma.local @!p0 [hbm:s0], s1  }
0x52: {  	s0 =	simm.s32 @!p0 $0x1  }
0x53: {  	_ =	swait.ge @!p0 [sflag:s0], s1  }
0x54: {  	s1 =	ssub.s32 @!p0 $0x0, s1;
	[sflag:s0] =	ssyncset.done @!p0 $0x0  }
0x55: {  	[sflag:s0] =	ssyncadd.s32 @!p0 s1  }
0x56: {  	[bflag:$0x3] =	sbarrier.arrive $0xFFFF  }
0x57: {  	_ =	shalt  }

</sc_bundles>
